<compile_context>
chip_gen: v7x
topology: tpu7x:2x2x1
jax: 0.10.2.dev20260603
libtpu: 0.0.44.dev20260713+nightly
codegen_flags: <defaults>
</compile_context>

<pallas_src>
import functools

import jax
import jax.numpy as jnp
from jax import lax
from jax.experimental import pallas as pl
from jax.experimental.pallas import tpu as pltpu
from jax.experimental.pallas import tpu_sc as plsc

_N_CODES = 8192
_DIM = 512
_COMMITMENT_COST = 0.25

_SC_CORES = 2
_SC_SUBCORES = 16
_SC_WORKERS = _SC_CORES * _SC_SUBCORES


def _gather_rows(emb, idx_flat, m_tokens):
    rows_per_worker = m_tokens // _SC_WORKERS
    chunk = 96
    mesh = plsc.VectorSubcoreMesh(core_axis_name="c", subcore_axis_name="s")

    @functools.partial(
        pl.kernel, mesh=mesh,
        out_type=jax.ShapeDtypeStruct((m_tokens, _DIM), jnp.float32),
        scratch_types=[
            pltpu.VMEM((rows_per_worker,), jnp.int32),
            pltpu.VMEM((chunk, _DIM), jnp.float32),
            pltpu.VMEM((chunk, _DIM), jnp.float32),
            pltpu.SemaphoreType.DMA,
            pltpu.SemaphoreType.DMA,
        ],
    )
    def k(table_hbm, idx_hbm, out_hbm, idx_v, rows_a, rows_b, gsem, ssem):
        wid = lax.axis_index("s") * _SC_CORES + lax.axis_index("c")
        base = wid * rows_per_worker
        pltpu.sync_copy(idx_hbm.at[pl.ds(base, rows_per_worker)], idx_v)
        pltpu.async_copy(table_hbm.at[idx_v.at[pl.ds(0, chunk)]],
                         rows_a, gsem).wait()
        st_a = pltpu.async_copy(rows_a, out_hbm.at[pl.ds(base, chunk)], ssem)
        pltpu.async_copy(table_hbm.at[idx_v.at[pl.ds(chunk, chunk)]],
                         rows_b, gsem).wait()
        st_b = pltpu.async_copy(rows_b, out_hbm.at[pl.ds(base + chunk, chunk)],
                                ssem)
        st_a.wait()
        pltpu.async_copy(table_hbm.at[idx_v.at[pl.ds(2 * chunk, chunk)]],
                         rows_a, gsem).wait()
        st_c = pltpu.async_copy(rows_a,
                                out_hbm.at[pl.ds(base + 2 * chunk, chunk)],
                                ssem)
        st_b.wait()
        st_c.wait()

    return k(emb, idx_flat)


_LOSS_BLOCK = 1152


def _loss_kernel(zq_ref, z_ref, o_ref):
    diff = zq_ref[...] - z_ref[...]
    o_ref[...] = jnp.sum(diff * diff).reshape(1, 1, 1)


def _sq_err_partials(z_q_flat, z_flat, m_tokens):
    nblk = m_tokens // _LOSS_BLOCK
    return pl.pallas_call(
        _loss_kernel,
        grid=(nblk,),
        in_specs=[pl.BlockSpec((_LOSS_BLOCK, _DIM), lambda i: (i, 0)),
                  pl.BlockSpec((_LOSS_BLOCK, _DIM), lambda i: (i, 0))],
        out_specs=pl.BlockSpec((1, 1, 1), lambda i: (i, 0, 0)),
        out_shape=jax.ShapeDtypeStruct((nblk, 1, 1), jnp.float32),
    )(z_q_flat, z_flat)


def kernel(z, emb):
    B, C, F, H, W = z.shape
    m_tokens = B * F * H * W

    z_flat = jnp.transpose(z, (0, 2, 3, 4, 1)).reshape(m_tokens, C)
    distances = (jnp.sum(z_flat ** 2, axis=1, keepdims=True)
                 + jnp.sum(emb ** 2, axis=1)
                 - 2.0 * jnp.matmul(z_flat, emb.T))
    idx_flat = jnp.argmin(distances, axis=1)

    z_q_flat = _gather_rows(emb, idx_flat, m_tokens)
    z_q = jnp.transpose(z_q_flat.reshape(B, F, H, W, C), (0, 4, 1, 2, 3))

    partials = _sq_err_partials(z_q_flat, z_flat, m_tokens)
    mse = jnp.sum(partials) / jnp.float32(m_tokens * C)
    vq_loss = mse + jnp.float32(_COMMITMENT_COST) * mse

    indices = idx_flat.reshape(B, F, H, W)
    return (z_q, vq_loss, indices)

# --- scband reference (transcript-rebuilt; emitter-appended) ---
"""Pipeline reference for scband-vector-quantizer-52828097741017 (READ-ONLY COPY).

The authoritative reference and input builder live on the scoring server;
editing this copy changes nothing except your own understanding.
"""

import jax, jax.numpy as jnp
import numpy as np

NUM_EMBEDDINGS = 8192
EMBEDDING_DIM = 512
COMMITMENT_COST = 0.25


def setup_inputs(seed: int = 0) -> dict:
    key = jax.random.key(seed)
    k1, k2 = jax.random.split(key)
    z = jax.random.normal(k1, (2, 512, 8, 24, 24), dtype=jnp.float32)
    emb = jax.random.uniform(k2, (NUM_EMBEDDINGS, EMBEDDING_DIM),
                             minval=-1.0 / NUM_EMBEDDINGS,
                             maxval=1.0 / NUM_EMBEDDINGS,
                             dtype=jnp.float32)
    return {"z": z, "emb": emb}


def reference(z, emb):
    B, C, F, H, W = z.shape
    z_flat = jnp.transpose(z, (0, 2, 3, 4, 1)).reshape(-1, C)
    distances = (jnp.sum(z_flat ** 2, axis=1, keepdims=True)
                 + jnp.sum(emb ** 2, axis=1)
                 - 2.0 * jnp.matmul(z_flat, emb.T))
    idx = jnp.argmin(distances, axis=1)
    z_q_flat = jnp.take(emb, idx, axis=0)
    z_q = jnp.transpose(z_q_flat.reshape(B, F, H, W, C), (0, 4, 1, 2, 3))
    commitment_loss = jnp.mean((jax.lax.stop_gradient(z_q) - z) ** 2)
    codebook_loss = jnp.mean((z_q - jax.lax.stop_gradient(z)) ** 2)
    vq_loss = codebook_loss + COMMITMENT_COST * commitment_loss
    z_q_st = z + jax.lax.stop_gradient(z_q - z)
    indices = idx.reshape(B, F, H, W)
    return (z_q_st, vq_loss, indices)

if __name__ == "__main__":
    import jax
    _d = setup_inputs()
    print(jax.jit(kernel)(*tuple(_d.values())))

</pallas_src>

<mosaic_0001>
#map = affine_map<(d0, d1) -> (0, 0)>
#map1 = affine_map<(d0, d1) -> (0)>
module attributes {stable_mosaic.version = 14 : i64} {
  func.func @k(%arg0: i32, %arg1: i32, %arg2: memref<8192x512xf32, #tpu.memory_space<hbm>>, %arg3: memref<9216xi32, #tpu.memory_space<hbm>>, %arg4: memref<9216x512xf32, #tpu.memory_space<hbm>>, %arg5: memref<288xi32, #tpu.memory_space<vmem>>, %arg6: memref<96x512xf32, #tpu.memory_space<vmem>>, %arg7: memref<96x512xf32, #tpu.memory_space<vmem>>, %arg8: memref<!tpu.dma_semaphore, #tpu.memory_space<semaphore_mem>>, %arg9: memref<!tpu.dma_semaphore, #tpu.memory_space<semaphore_mem>>) attributes {dimension_semantics = [#tpu.dimension_semantics<core_parallel>, #tpu.dimension_semantics<subcore_parallel>], iteration_bounds = array<i64: 2, 16>, scalar_prefetch = 0 : i64, scratch_operands = 5 : i64, tpu.core_type = #tpu.core_type<sc_vector_subcore>, window_params = [{transform_indices = #map}, {transform_indices = #map1}, {transform_indices = #map}]} {
    %mul3A = arith.constant 2 : i32
    %mul3A_0 = arith.muli %arg1, %mul3A : i32
    %add3A = arith.addi %mul3A_0, %arg0 : i32
    %mul3A_1 = arith.constant 288 : i32
    %mul3A_2 = arith.muli %add3A, %mul3A_1 : i32
    "tpu.region"() ({
      %run_scoped3A = tpu.sem_alloc : memref<!tpu.dma_semaphore, #tpu.memory_space<semaphore_mem>>
      %dma_start3A_59 = tpu.memref_slice %arg3[%mul3A_2] : memref<9216xi32, #tpu.memory_space<hbm>> -> memref<288xi32, #tpu.memory_space<hbm>>
      %dma_start3A_60 = tpu.memref_slice %arg3[%mul3A_2] : memref<9216xi32, #tpu.memory_space<hbm>> -> memref<288xi32, #tpu.memory_space<hbm>>
      tpu.enqueue_dma source(%dma_start3A_60 : memref<288xi32, #tpu.memory_space<hbm>>) target(%arg5 : memref<288xi32, #tpu.memory_space<vmem>>) target_semaphore(%run_scoped3A : memref<!tpu.dma_semaphore, #tpu.memory_space<semaphore_mem>>)
      %dma_wait3A_61 = tpu.memref_slice %arg3[%mul3A_2] : memref<9216xi32, #tpu.memory_space<hbm>> -> memref<288xi32, #tpu.memory_space<hbm>>
      %dma_wait3A_62 = tpu.memref_slice %arg3[%mul3A_2] : memref<9216xi32, #tpu.memory_space<hbm>> -> memref<288xi32, #tpu.memory_space<hbm>>
      tpu.wait_dma2 semaphore(%run_scoped3A : memref<!tpu.dma_semaphore, #tpu.memory_space<semaphore_mem>>) src(%dma_wait3A_62 : memref<288xi32, #tpu.memory_space<hbm>>) dst(%arg5 : memref<288xi32, #tpu.memory_space<vmem>>)
      tpu.yield
    }) : () -> ()
    %dma_start3A = arith.constant 0 : i32
    %dma_start3A_3 = tpu.memref_slice %arg5[%dma_start3A] : memref<288xi32, #tpu.memory_space<vmem>> -> memref<96xi32, #tpu.memory_space<vmem>>
    %dma_start3A_4 = arith.constant 0 : i32
    %dma_start3A_5 = arith.constant 0 : i32
    %dma_start3A_6 = tpu.memref_slice %arg2[%dma_start3A_4, %dma_start3A_5] : memref<8192x512xf32, #tpu.memory_space<hbm>> -> memref<8192x512xf32, #tpu.memory_space<hbm>>
    tpu.enqueue_indirect_dma source(%dma_start3A_6 : memref<8192x512xf32, #tpu.memory_space<hbm>>) target(%arg6 : memref<96x512xf32, #tpu.memory_space<vmem>>) offsets(%dma_start3A_3 : memref<96xi32, #tpu.memory_space<vmem>>) semaphore(%arg8 : memref<!tpu.dma_semaphore, #tpu.memory_space<semaphore_mem>>)
    %dma_wait3A = arith.constant 0 : i32
    %dma_wait3A_7 = tpu.memref_slice %arg5[%dma_wait3A] : memref<288xi32, #tpu.memory_space<vmem>> -> memref<96xi32, #tpu.memory_space<vmem>>
    %dma_wait3A_8 = arith.constant 0 : i32
    %dma_wait3A_9 = arith.constant 0 : i32
    %dma_wait3A_10 = tpu.memref_slice %arg2[%dma_wait3A_8, %dma_wait3A_9] : memref<8192x512xf32, #tpu.memory_space<hbm>> -> memref<8192x512xf32, #tpu.memory_space<hbm>>
    tpu.wait_indirect_dma semaphore(%arg8 : memref<!tpu.dma_semaphore, #tpu.memory_space<semaphore_mem>>) src(%dma_wait3A_10 : memref<8192x512xf32, #tpu.memory_space<hbm>>) dst(%arg6 : memref<96x512xf32, #tpu.memory_space<vmem>>)
    %dma_start3A_11 = arith.constant 0 : i32
    %dma_start3A_12 = tpu.memref_slice %arg4[%mul3A_2, %dma_start3A_11] : memref<9216x512xf32, #tpu.memory_space<hbm>> -> memref<96x512xf32, #tpu.memory_space<hbm>>
    %dma_start3A_13 = arith.constant 0 : i32
    %dma_start3A_14 = tpu.memref_slice %arg4[%mul3A_2, %dma_start3A_13] : memref<9216x512xf32, #tpu.memory_space<hbm>> -> memref<96x512xf32, #tpu.memory_space<hbm>>
    tpu.enqueue_dma source(%arg6 : memref<96x512xf32, #tpu.memory_space<vmem>>) target(%dma_start3A_14 : memref<96x512xf32, #tpu.memory_space<hbm>>) target_semaphore(%arg9 : memref<!tpu.dma_semaphore, #tpu.memory_space<semaphore_mem>>)
    %dma_start3A_15 = arith.constant 96 : i32
    %dma_start3A_16 = tpu.memref_slice %arg5[%dma_start3A_15] : memref<288xi32, #tpu.memory_space<vmem>> -> memref<96xi32, #tpu.memory_space<vmem>>
    %dma_start3A_17 = arith.constant 0 : i32
    %dma_start3A_18 = arith.constant 0 : i32
    %dma_start3A_19 = tpu.memref_slice %arg2[%dma_start3A_17, %dma_start3A_18] : memref<8192x512xf32, #tpu.memory_space<hbm>> -> memref<8192x512xf32, #tpu.memory_space<hbm>>
    tpu.enqueue_indirect_dma source(%dma_start3A_19 : memref<8192x512xf32, #tpu.memory_space<hbm>>) target(%arg7 : memref<96x512xf32, #tpu.memory_space<vmem>>) offsets(%dma_start3A_16 : memref<96xi32, #tpu.memory_space<vmem>>) semaphore(%arg8 : memref<!tpu.dma_semaphore, #tpu.memory_space<semaphore_mem>>)
    %dma_wait3A_20 = arith.constant 96 : i32
    %dma_wait3A_21 = tpu.memref_slice %arg5[%dma_wait3A_20] : memref<288xi32, #tpu.memory_space<vmem>> -> memref<96xi32, #tpu.memory_space<vmem>>
    %dma_wait3A_22 = arith.constant 0 : i32
    %dma_wait3A_23 = arith.constant 0 : i32
    %dma_wait3A_24 = tpu.memref_slice %arg2[%dma_wait3A_22, %dma_wait3A_23] : memref<8192x512xf32, #tpu.memory_space<hbm>> -> memref<8192x512xf32, #tpu.memory_space<hbm>>
    tpu.wait_indirect_dma semaphore(%arg8 : memref<!tpu.dma_semaphore, #tpu.memory_space<semaphore_mem>>) src(%dma_wait3A_24 : memref<8192x512xf32, #tpu.memory_space<hbm>>) dst(%arg7 : memref<96x512xf32, #tpu.memory_space<vmem>>)
    %add3A_25 = arith.constant 96 : i32
    %add3A_26 = arith.addi %mul3A_2, %add3A_25 : i32
    %dma_start3A_27 = arith.constant 0 : i32
    %dma_start3A_28 = tpu.memref_slice %arg4[%add3A_26, %dma_start3A_27] : memref<9216x512xf32, #tpu.memory_space<hbm>> -> memref<96x512xf32, #tpu.memory_space<hbm>>
    %dma_start3A_29 = arith.constant 0 : i32
    %dma_start3A_30 = tpu.memref_slice %arg4[%add3A_26, %dma_start3A_29] : memref<9216x512xf32, #tpu.memory_space<hbm>> -> memref<96x512xf32, #tpu.memory_space<hbm>>
    tpu.enqueue_dma source(%arg7 : memref<96x512xf32, #tpu.memory_space<vmem>>) target(%dma_start3A_30 : memref<96x512xf32, #tpu.memory_space<hbm>>) target_semaphore(%arg9 : memref<!tpu.dma_semaphore, #tpu.memory_space<semaphore_mem>>)
    %dma_wait3A_31 = arith.constant 0 : i32
    %dma_wait3A_32 = tpu.memref_slice %arg4[%mul3A_2, %dma_wait3A_31] : memref<9216x512xf32, #tpu.memory_space<hbm>> -> memref<96x512xf32, #tpu.memory_space<hbm>>
    %dma_wait3A_33 = arith.constant 0 : i32
    %dma_wait3A_34 = tpu.memref_slice %arg4[%mul3A_2, %dma_wait3A_33] : memref<9216x512xf32, #tpu.memory_space<hbm>> -> memref<96x512xf32, #tpu.memory_space<hbm>>
    tpu.wait_dma2 semaphore(%arg9 : memref<!tpu.dma_semaphore, #tpu.memory_space<semaphore_mem>>) src(%arg6 : memref<96x512xf32, #tpu.memory_space<vmem>>) dst(%dma_wait3A_34 : memref<96x512xf32, #tpu.memory_space<hbm>>)
    %dma_start3A_35 = arith.constant 192 : i32
    %dma_start3A_36 = tpu.memref_slice %arg5[%dma_start3A_35] : memref<288xi32, #tpu.memory_space<vmem>> -> memref<96xi32, #tpu.memory_space<vmem>>
    %dma_start3A_37 = arith.constant 0 : i32
    %dma_start3A_38 = arith.constant 0 : i32
    %dma_start3A_39 = tpu.memref_slice %arg2[%dma_start3A_37, %dma_start3A_38] : memref<8192x512xf32, #tpu.memory_space<hbm>> -> memref<8192x512xf32, #tpu.memory_space<hbm>>
    tpu.enqueue_indirect_dma source(%dma_start3A_39 : memref<8192x512xf32, #tpu.memory_space<hbm>>) target(%arg6 : memref<96x512xf32, #tpu.memory_space<vmem>>) offsets(%dma_start3A_36 : memref<96xi32, #tpu.memory_space<vmem>>) semaphore(%arg8 : memref<!tpu.dma_semaphore, #tpu.memory_space<semaphore_mem>>)
    %dma_wait3A_40 = arith.constant 192 : i32
    %dma_wait3A_41 = tpu.memref_slice %arg5[%dma_wait3A_40] : memref<288xi32, #tpu.memory_space<vmem>> -> memref<96xi32, #tpu.memory_space<vmem>>
    %dma_wait3A_42 = arith.constant 0 : i32
    %dma_wait3A_43 = arith.constant 0 : i32
    %dma_wait3A_44 = tpu.memref_slice %arg2[%dma_wait3A_42, %dma_wait3A_43] : memref<8192x512xf32, #tpu.memory_space<hbm>> -> memref<8192x512xf32, #tpu.memory_space<hbm>>
    tpu.wait_indirect_dma semaphore(%arg8 : memref<!tpu.dma_semaphore, #tpu.memory_space<semaphore_mem>>) src(%dma_wait3A_44 : memref<8192x512xf32, #tpu.memory_space<hbm>>) dst(%arg6 : memref<96x512xf32, #tpu.memory_space<vmem>>)
    %add3A_45 = arith.constant 192 : i32
    %add3A_46 = arith.addi %mul3A_2, %add3A_45 : i32
    %dma_start3A_47 = arith.constant 0 : i32
    %dma_start3A_48 = tpu.memref_slice %arg4[%add3A_46, %dma_start3A_47] : memref<9216x512xf32, #tpu.memory_space<hbm>> -> memref<96x512xf32, #tpu.memory_space<hbm>>
    %dma_start3A_49 = arith.constant 0 : i32
    %dma_start3A_50 = tpu.memref_slice %arg4[%add3A_46, %dma_start3A_49] : memref<9216x512xf32, #tpu.memory_space<hbm>> -> memref<96x512xf32, #tpu.memory_space<hbm>>
    tpu.enqueue_dma source(%arg6 : memref<96x512xf32, #tpu.memory_space<vmem>>) target(%dma_start3A_50 : memref<96x512xf32, #tpu.memory_space<hbm>>) target_semaphore(%arg9 : memref<!tpu.dma_semaphore, #tpu.memory_space<semaphore_mem>>)
    %dma_wait3A_51 = arith.constant 0 : i32
    %dma_wait3A_52 = tpu.memref_slice %arg4[%add3A_26, %dma_wait3A_51] : memref<9216x512xf32, #tpu.memory_space<hbm>> -> memref<96x512xf32, #tpu.memory_space<hbm>>
    %dma_wait3A_53 = arith.constant 0 : i32
    %dma_wait3A_54 = tpu.memref_slice %arg4[%add3A_26, %dma_wait3A_53] : memref<9216x512xf32, #tpu.memory_space<hbm>> -> memref<96x512xf32, #tpu.memory_space<hbm>>
    tpu.wait_dma2 semaphore(%arg9 : memref<!tpu.dma_semaphore, #tpu.memory_space<semaphore_mem>>) src(%arg7 : memref<96x512xf32, #tpu.memory_space<vmem>>) dst(%dma_wait3A_54 : memref<96x512xf32, #tpu.memory_space<hbm>>)
    %dma_wait3A_55 = arith.constant 0 : i32
    %dma_wait3A_56 = tpu.memref_slice %arg4[%add3A_46, %dma_wait3A_55] : memref<9216x512xf32, #tpu.memory_space<hbm>> -> memref<96x512xf32, #tpu.memory_space<hbm>>
    %dma_wait3A_57 = arith.constant 0 : i32
    %dma_wait3A_58 = tpu.memref_slice %arg4[%add3A_46, %dma_wait3A_57] : memref<9216x512xf32, #tpu.memory_space<hbm>> -> memref<96x512xf32, #tpu.memory_space<hbm>>
    tpu.wait_dma2 semaphore(%arg9 : memref<!tpu.dma_semaphore, #tpu.memory_space<semaphore_mem>>) src(%arg6 : memref<96x512xf32, #tpu.memory_space<vmem>>) dst(%dma_wait3A_58 : memref<96x512xf32, #tpu.memory_space<hbm>>)
    return
  }
}

module attributes {stable_mosaic.version = 14 : i64} {
  func.func @_loss_kernel(%arg0: i32, %arg1: memref<1152x512xf32, #tpu.memory_space<vmem>>, %arg2: memref<1152x512xf32, #tpu.memory_space<vmem>>, %arg3: memref<1x1x1xf32, #tpu.memory_space<vmem>>) attributes {dimension_semantics = [#tpu.dimension_semantics<arbitrary>], iteration_bounds = array<i64: 8>, scalar_prefetch = 0 : i64, scratch_operands = 0 : i64, tpu.core_type = #tpu.core_type<tc>, window_params = [{transform_indices = @transform_0, window_bounds = array<i64: 1152, 512>}, {transform_indices = @transform_1, window_bounds = array<i64: 1152, 512>}, {transform_indices = @transform_2, window_bounds = array<i64: 1, 1, 1>}]} {
    %get3A = arith.constant 0 : index
    %get3A_0 = arith.constant 0 : index
    %get3A_1 = vector.load %arg1[%get3A, %get3A_0] : memref<1152x512xf32, #tpu.memory_space<vmem>>, vector<1152x512xf32>
    %get3A_2 = arith.constant 0 : index
    %get3A_3 = arith.constant 0 : index
    %get3A_4 = vector.load %arg2[%get3A_2, %get3A_3] : memref<1152x512xf32, #tpu.memory_space<vmem>>, vector<1152x512xf32>
    %sub3A = arith.subf %get3A_1, %get3A_4 : vector<1152x512xf32>
    %mul3A = arith.mulf %sub3A, %sub3A : vector<1152x512xf32>
    %reduce_sum3A = vector.shape_cast %mul3A : vector<1152x512xf32> to vector<1x1152x512xf32>
    %reduce_sum3A_5 = arith.constant dense<0.000000e+00> : vector<1xf32>
    %reduce_sum3A_6 = vector.multi_reduction <add>, %reduce_sum3A, %reduce_sum3A_5 [1, 2] : vector<1x1152x512xf32> to vector<1xf32>
    %reduce_sum3A_7 = vector.shape_cast %reduce_sum3A_6 : vector<1xf32> to vector<1x1x1xf32>
    %reduce_sum3A_8 = vector.extract %reduce_sum3A_7[0, 0, 0] : f32 from vector<1x1x1xf32>
    %reshape3A = vector.broadcast %reduce_sum3A_8 : f32 to vector<1x1x1xf32>
    %swap3A = arith.constant 0 : index
    %swap3A_9 = arith.constant 0 : index
    %swap3A_10 = arith.constant 0 : index
    %swap3A_11 = vector.load %arg3[%swap3A, %swap3A_9, %swap3A_10] : memref<1x1x1xf32, #tpu.memory_space<vmem>>, vector<1x1x1xf32>
    tpu.vector_store %arg3[%swap3A, %swap3A_9, %swap3A_10], %reshape3A {strides = array<i32>} : memref<1x1x1xf32, #tpu.memory_space<vmem>>, vector<1x1x1xf32>,
    return
  }
  func.func @transform_0(%arg0: i32) -> (i32, i32) {
    %c0_i32 = arith.constant 0 : i32
    %c0_i32_0 = arith.constant 0 : i32
    return %arg0, %c0_i32 : i32, i32
  }
  func.func @transform_1(%arg0: i32) -> (i32, i32) {
    %c0_i32 = arith.constant 0 : i32
    %c0_i32_0 = arith.constant 0 : i32
    return %arg0, %c0_i32 : i32, i32
  }
  func.func @transform_2(%arg0: i32) -> (i32, i32, i32) {
    %c0_i32 = arith.constant 0 : i32
    %c0_i32_0 = arith.constant 0 : i32
    %c0_i32_1 = arith.constant 0 : i32
    return %arg0, %c0_i32, %c0_i32_0 : i32, i32, i32
  }
}

</mosaic_0001>

<sc_bundles>
// kernel: kernel.4.cloned.1.call-start
scs
__scs_entry_jumppad:
0x0: {  	(pc) =	sbr.rel $0x88, $3  }
0x1: {  	(tag) =	ssettag $0x0;
	lr =	simm.s32 $0x1  }
0x2: {  	[smem:$0x3F9F] =	sst lr;
	_ =	strace $0xD0000000  }
0x3: {  	_ = 	snop  }
0x4: {  	_ = 	snop  }
0x5: {  	_ = 	snop  }
0x6: {  	_ = 	snop  }
0x7: {  	_ = 	snop  }
__scs_overlays_trampoline_lowered:
0x8: {  	[smem:$0x3FAE] =	sst s0  }
0x9: {  	[smem:$0x3FAF] =	sst s1  }
0xa: {  	[smem:$0x3FB0] =	sst s2  }
0xb: {  	[smem:$0x3FB1] =	sst s3  }
0xc: {  	[smem:$0x3FB2] =	sst s4  }
0xd: {  	[smem:$0x3FB3] =	sst s5  }
0xe: {  	[smem:$0x3FB4] =	sst s6  }
0xf: {  	[smem:$0x3FB5] =	sst s7  }
0x10: {  	[smem:$0x3FB6] =	sst s8  }
0x11: {  	[smem:$0x3FB7] =	sst s9;
	s0 =	simm.s32 @!p0 $0x0  }
0x12: {  	s1 =	sld [smem:$0x3F9D];
	s0 =	simm.s32 @p0 $0x1  }
0x13: {  	[smem:$0x3FB8] =	sst s0;
	s0 =	simm.s32 @!p1 $0x0  }
0x14: {  	s2 =	sld [smem:$0x3F9C];
	s0 =	simm.s32 @p1 $0x1  }
0x15: {  	[smem:$0x3FB9] =	sst s0;
	s0 =	simm.s32 @!p2 $0x0  }
0x16: {  	s3 =	sld [smem:$0x3FDB];
	s0 =	simm.s32 @p2 $0x1  }
0x17: {  	s4 =	simm.s32 $0x1BF5;
	[smem:$0x3FBB] =	sst s0  }
0x18: {  	s0 =	sld [smem:$0x3F9E];
	_ =	swait.ge [sflag:s4], $0x0  }
0x19: {  	s7 =	sld [smem:$0x3F9F]  }
0x1a: {  	s8 =	sadd.s32 $0xFFFFE003, lr  }
0x1b: {  	s9 =	sadd.s32 $0xFFFFFEF7, lr;
	s5 =	simm.s32 $0xFFFFFFFF;
	p2 =	slt.u32 s8, $0xFFFFF086  }
0x1c: {  	p1 =	slt.u32 s9, $0xF7A;
	s5 =	simm.s32 @!p2 $0x0  }
0x1d: {  	s5 =	simm.s32 @p1 $0x1;
	p0 =	seq.s32 s7, s2  }
0x1e: {  	s7 =	smul.u32 @!p0 $0xF7A, s2;
	p2 =	seq.s32 @!p0 s5, $0x0  }
0x1f: {  	s9 =	smul.u32 $0xF7A, s1;
	s8 =	simm.s32 @!p0 $0x1BF5;
	p2 =	por !p2, p0  }
0x20: {  	[sflag:s8] =	ssyncset.s32 @!p0 $0xFFFFF086;
	s6 =	sadd.s32 @!p0 s3, s7;
	s7 =	simm.s32 @!p0 $0x108  }
0x21: {  	s3 =	sadd.s32 s3, s9;
	s6 =	sadd.s32 @!p0 $0x88, s6;
	s7 =	simm.s32 @p2 $0x1082  }
0x22: {  	[simem:s7], [sflag:s8] =	dma.local @!p0 [hbm:s6], $0xF7A  }
0x23: {  	s9 =	sor.u32 $0xD0000000, s2;
	s6 =	simm.s32 $0x108;
	_ =	swait.ge @!p0 [sflag:s8], $0x0  }
0x24: {  	s3 =	sadd.s32 $0x88, s3;
	s6 =	simm.s32 @!p1 $0x1082;
	[sflag:s4] =	ssyncset.s32 $0xFFFFF086  }
0x25: {  	[simem:s6], [sflag:s4] =	dma.local [hbm:s3], $0xF7A  }
0x26: {  	[smem:$0x3F9F] =	sst s1;
	(tag) =	ssettag s2;
	_ =	strace s9  }
0x27: {  	s1 =	sld [smem:$0x3FAF]  }
0x28: {  	s2 =	sld [smem:$0x3FB0]  }
0x29: {  	s4 =	sld [smem:$0x3FB2]  }
0x2a: {  	p0 =	seq.s32 s5, $0x0;
	s5 =	sld [smem:$0x3FB3]  }
0x2b: {  	s6 =	sld [smem:$0x3FB4]  }
0x2c: {  	s7 =	sld [smem:$0x3FB5]  }
0x2d: {  	s3 =	simm.s32 $0x108;
	s8 =	sld [smem:$0x3FB6]  }
0x2e: {  	s3 =	simm.s32 @!p0 $0x1082;
	s9 =	sld [smem:$0x3FB7]  }
0x2f: {  	lr =	sadd.s32 s0, s3;
	s0 =	sld [smem:$0x3FAE]  }
0x30: {  	s3 =	sld [smem:$0x3FB1]  }
0x31: {  	[smem:$0x3FBA] =	sst s10  }
0x32: {  	s10 =	sld [smem:$0x3FB8];
	_ =	sdelay $0x3  }
0x33: {  	p0 =	seq.s32 s10, $0x1;
	s10 =	sld [smem:$0x3FBA];
	_ =	sdelay $0x3  }
0x34: {  	[smem:$0x3FBA] =	sst s10  }
0x35: {  	s10 =	sld [smem:$0x3FB9];
	_ =	sdelay $0x3  }
0x36: {  	p1 =	seq.s32 s10, $0x1;
	s10 =	sld [smem:$0x3FBA];
	_ =	sdelay $0x3  }
0x37: {  	[smem:$0x3FBA] =	sst s10  }
0x38: {  	s10 =	sld [smem:$0x3FBB]  }
0x39: {  	_ = 	snop;
	(pc) =	sbr.ind lr, $3  }
0x3a: {  	_ = 	snop  }
0x3b: {  	_ = 	snop  }
0x3c: {  	p2 =	seq.s32 s10, $0x1;
	s10 =	sld [smem:$0x3FBA]  }
0x3d: {  	_ =	shalt  }
0x3e: {  	_ =	shalt  }
0x3f: {  	_ =	shalt  }
0x40: {  	_ =	shalt  }
0x41: {  	_ =	shalt  }
0x42: {  	_ =	shalt  }
0x43: {  	_ =	shalt  }
0x44: {  	_ =	shalt  }
0x45: {  	_ =	shalt  }
0x46: {  	_ =	shalt  }
0x47: {  	_ =	shalt  }
0x48: {  	_ =	shalt  }
0x49: {  	_ =	shalt  }
0x4a: {  	_ =	shalt  }
0x4b: {  	_ =	shalt  }
0x4c: {  	_ =	shalt  }
0x4d: {  	_ =	shalt  }
0x4e: {  	_ =	shalt  }
0x4f: {  	_ =	shalt  }
0x50: {  	_ =	shalt  }
0x51: {  	_ =	shalt  }
0x52: {  	_ =	shalt  }
0x53: {  	_ =	shalt  }
0x54: {  	_ =	shalt  }
0x55: {  	_ =	shalt  }
0x56: {  	_ =	shalt  }
0x57: {  	_ =	shalt  }
0x58: {  	_ =	shalt  }
0x59: {  	_ =	shalt  }
0x5a: {  	_ =	shalt  }
0x5b: {  	_ =	shalt  }
0x5c: {  	_ =	shalt  }
0x5d: {  	_ =	shalt  }
0x5e: {  	_ =	shalt  }
0x5f: {  	_ =	shalt  }
0x60: {  	_ =	shalt  }
0x61: {  	_ =	shalt  }
0x62: {  	_ =	shalt  }
0x63: {  	_ =	shalt  }
0x64: {  	_ =	shalt  }
0x65: {  	_ =	shalt  }
0x66: {  	_ =	shalt  }
0x67: {  	_ =	shalt  }
0x68: {  	_ =	shalt  }
0x69: {  	_ =	shalt  }
0x6a: {  	_ =	shalt  }
0x6b: {  	_ =	shalt  }
0x6c: {  	_ =	shalt  }
0x6d: {  	_ =	shalt  }
0x6e: {  	_ =	shalt  }
0x6f: {  	_ =	shalt  }
0x70: {  	_ =	shalt  }
0x71: {  	_ =	shalt  }
0x72: {  	_ =	shalt  }
0x73: {  	_ =	shalt  }
0x74: {  	_ =	shalt  }
0x75: {  	_ =	shalt  }
0x76: {  	_ =	shalt  }
0x77: {  	_ =	shalt  }
0x78: {  	_ =	shalt  }
0x79: {  	_ =	shalt  }
0x7a: {  	_ =	shalt  }
0x7b: {  	_ =	shalt  }
0x7c: {  	_ =	shalt  }
0x7d: {  	_ =	shalt  }
0x7e: {  	_ =	shalt  }
0x7f: {  	_ =	shalt  }
0x80: {  	_ =	shalt  }
0x81: {  	_ =	shalt  }
0x82: {  	_ =	shalt  }
0x83: {  	_ =	shalt  }
0x84: {  	_ =	shalt  }
0x85: {  	_ =	shalt  }
0x86: {  	_ =	shalt  }
0x87: {  	_ =	shalt  }
.Lfunc_end0:
.L_simem_size_0:
called_computation_lowered:
.L_overlay_start_0:
0x88: {  	s2 =	sld [smem:$0x3FD9]  }
0x89: {  	s3 =	sld [smem:$0x3FFE];
	_ =	sdelay $0x1  }
0x8a: {  	s1 =	srdreg.scid  }
0x8b: {  	s0 =	sand.u32 $0x1, s1  }
0x8c: {  	s14 =	sshll.u32 s0, $0xA;
	s2 =	sadd.s32 s3, s2  }
0x8d: {  	s2 =	sadd.s32 s2, s14  }
0x8e: {  	[smem:$0x3FC6] =	sst s2  }
0x8f: {  	_ = 	snop  }
0x90: {  	s2 =	sld [smem:$0x3FD0];
	_ =	sdelay $0x2  }
0x91: {  	s4 =	simm.s32 $0xA;
	s5 =	simm.s32 $0x10;
	s15 =	sld [smem:$0x3FC8]  }
0x92: {  	[smem:s5], [sflag:s4] =	dma.local [hbm:s2], $0x1  }
0x93: {  	_ =	swait.eq [sflag:s4], $0x1  }
0x94: {  	[sflag:s4] =	ssyncset.done $0x0  }
0x95: {  	[sflag:s4] =	ssyncadd.s32 $0xFFFFFFFF  }
0x96: {  	s16 =	sld [smem:$0x10];
	(tm) =	ssettm $0x1  }
0x97: {  	s17 =	sld [smem:$0x3FFB];
	_ =	sdelay $0x3  }
0x98: {  	_ =	strace s17  }
0x99: {  	s4 =	sld [smem:$0x3FFC];
	_ =	sdelay $0x3  }
0x9a: {  	_ =	strace s4  }
0x9b: {  	s4 =	sld [smem:$0x3FFD];
	_ =	sdelay $0x3  }
0x9c: {  	_ =	strace s4  }
0x9d: {  	_ =	strace $0x8FFFFFFF  }
0x9e: {  	s18 =	sld [smem:$0x3FDB];
	_ =	sdelay $0x1  }
0x9f: {  	s19 =	simm.s32 $_scs_section_size  }
0xa0: {  	s6 =	simm.s32 $_size__tile_overlayer_lowered;
	s7 =	simm.s32 $_tile_overlayer_lowered  }
0xa1: {  	s22 =	simm.s32 $0x1BFF;
	s21 =	sshll.u32 s7, $0x1;
	s4 =	sadd.s32 s19, s18  }
0xa2: {  	s8 =	simm.s32 $0x0;
	s20 =	sshll.u32 s6, $0x1;
	s6 =	sadd.s32 s21, s4  }
0xa3: {  	[timem:s8], [sflag:s22] =	dma.local [hbm:s6], s20  }
0xa4: {  	_ =	swait.ge [sflag:s22], s20  }
0xa5: {  	s5 =	ssub.s32 $0x0, s20;
	[sflag:s22] =	ssyncset.done $0x0  }
0xa6: {  	[sflag:s22] =	ssyncadd.s32 s5;
	_ =	sdelay $0x1  }
0xa7: {  	s23 =	simm.s32 $0x1B8B  }
0xa8: {  	_ =	swait.ge [sflag:s23], $0x1  }
0xa9: {  	[sflag:s23] =	ssyncset.done $0x0  }
0xaa: {  	s25 =	simm.s32 $0x1B8E;
	s24 =	sld [smem:$0x3FFE];
	[sflag:s23] =	ssyncadd.s32 $0xFFFFFFFF  }
0xab: {  	s26 =	simm.s32 $execute0_lowered;
	[smem:$0x3FD2] =	sst s25  }
0xac: {  	s6 =	sshll.u32 s26, $0x1;
	_ =	strace $0x80000046;
	[dreg:$0x1] =	wrdreg $0xFFFFFFFF  }
0xad: {  	s28 =	simm.s32 $_size_execute0_lowered;
	s4 =	sadd.s32 s4, s6;
	[dreg:$0x0] =	wrdreg $0x0  }
0xae: {  	s6 =	sshll.u32 s28, $0x1;
	[dreg:$0x2] =	wrdreg s4  }
0xaf: {  	[dreg:$0x3] =	wrdreg s6  }
0xb0: {  	[dreg:$0x4] =	wrdreg $0xC0  }
0xb1: {  	_ =	task [dreg:s8], $0x5FFFF  }
0xb2: {  	[dreg:$0x1] =	wrdreg $0xFFFFFFFF  }
0xb3: {  	[dreg:$0x0] =	wrdreg $0x60  }
0xb4: {  	[dreg:$0x2] =	wrdreg s15  }
0xb5: {  	[dreg:$0x3] =	wrdreg s24  }
0xb6: {  	[dreg:$0x4] =	wrdreg s16  }
0xb7: {  	[dreg:$0x5] =	wrdreg $0x9  }
0xb8: {  	_ =	task.clear_ibuf [dreg:s8], $0x6FFFF;
	_ =	strace $0x90000046  }
0xb9: {  	s29 =	simm.s32 $0x9;
	_ =	strace $0x80000048  }
0xba: {  	_ =	swait.ge [sflag:s29], $0x1  }
0xbb: {  	[sflag:s29] =	ssyncadd.s32 $0xFFFFFFFF  }
0xbc: {  	_ =	strace $0x90000048  }
0xbd: {  	_ =	sfence  }
0xbe: {  	s30 =	sld [smem:$0x0];
	_ =	sdelay $0x2  }
0xbf: {  	s31 =	sshll.u32 s1, $0xD;
	s1 =	sshrl.u32 s1, $0x2  }
0xc0: {  	s3 =	sand.u32 $0x4000, s31;
	s1 =	sadd.s32 s1, s30  }
0xc1: {  	s0 =	sor.u32 s3, s0;
	s1 =	sshll.u32 s1, $0x11  }
0xc2: {  	s0 =	sor.u32 s1, s0  }
0xc3: {  	s0 =	sadd.s32 $0x8F2B, s0  }
0xc4: {  	[sflag:s0] =	ssyncadd.remote.s32 $0x1  }
0xc5: {  	_ =	sfence.sel $0xFFFF  }
0xc6: {  	[dreg:$0x0] =	wrdreg $0xFFFFFFFF;
	(pc) =	sbr.abs _section_cstart, $3  }
0xc7: {  	[dreg:$0x1] =	wrdreg $0xFFFFFFFF  }
0xc8: {  	_ =	task.clear_ibuf [dreg:s8], $0x2FFFF;
	_ =	strace $0x9FFFFFFF  }
0xc9: {  	(tm) =	ssettm $0x7FFFFFFF  }
tec
execute0_lowered:
.L_overlay_start_1:
0x0: {  	(tag) =	ssettag $0x1  }
0x1: {  	s1 =	rddreg [dreg:$0x0]  }
0x2: {  	s4 =	rddreg [dreg:$0x1]  }
0x3: {  	s5 =	rddreg [dreg:$0x2];
	s3 =	simm.s32 $0x0  }
0x4: {  	s26 =	simm.s32 $0xC980;
	[smem:$0x7FF] =	sst s3  }
0x5: {  	s8 =	simm.s32 $0xE980;
	_ =	strace $0x80000047;
	[dreg:$0x8] =	wrdreg s26  }
0x6: {  	s9 =	simm.s32 $0xF180;
	[dreg:$0xc] =	wrdreg s8  }
0x7: {  	s10 =	simm.s32 $0xF980;
	[dreg:$0xd] =	wrdreg s9  }
0x8: {  	s11 =	simm.s32 $0x10180;
	[dreg:$0xe] =	wrdreg s10  }
0x9: {  	s0 =	srdreg.scid;
	s12 =	simm.s32 $0x10980;
	[dreg:$0xf] =	wrdreg s11  }
0xa: {  	s2 =	stileid.u32;
	s13 =	simm.s32 $0x11180;
	[dreg:$0x10] =	wrdreg s12  }
0xb: {  	s14 =	simm.s32 $0x11980;
	s15 =	simm.s32 $0x12180;
	[dreg:$0x11] =	wrdreg s13  }
0xc: {  	s16 =	simm.s32 $0x12980;
	s17 =	simm.s32 $0x13180;
	[dreg:$0x12] =	wrdreg s14  }
0xd: {  	s18 =	simm.s32 $0x13980;
	s19 =	simm.s32 $0x14180;
	[dreg:$0x13] =	wrdreg s15  }
0xe: {  	s20 =	simm.s32 $0x14980;
	s21 =	simm.s32 $0x15180;
	[dreg:$0x14] =	wrdreg s16  }
0xf: {  	s28 =	simm.s32 $0x8980;
	s29 =	simm.s32 $0x9180;
	[dreg:$0x15] =	wrdreg s17  }
0x10: {  	s30 =	simm.s32 $0x9980;
	s31 =	simm.s32 $0xA180;
	[dreg:$0x16] =	wrdreg s18  }
0x11: {  	s0 =	sand.u32 $0x1, s0;
	s2 =	sshll.u32 s2, $0x1;
	[dreg:$0x17] =	wrdreg s19  }
0x12: {  	s2 =	sor.u32 s0, s2;
	s0 =	ssub.s32 $0x2, s0;
	[dreg:$0x18] =	wrdreg s20  }
0x13: {  	[dreg:$0x19] =	wrdreg s21;
	s26 =	simm.s32 $0x17980;
	s8 =	simm.s32 $0x2  }
0x14: {  	s11 =	simm.s32 $0x980;
	s12 =	simm.s32 $0x1180;
	s13 =	simm.s32 $0x1980  }
0x15: {  	s14 =	simm.s32 $0x2180;
	s15 =	simm.s32 $0x2980;
	s16 =	simm.s32 $0x3180  }
0x16: {  	s17 =	simm.s32 $0x3980;
	s18 =	simm.s32 $0x4180;
	s6 =	smul.u32 $0x24, s2  }
0x17: {  	s19 =	simm.s32 $0x4980;
	s20 =	simm.s32 $0x5180;
	s7 =	smul.u32 $0x24000, s2  }
0x18: {  	s21 =	simm.s32 $0x5980;
	s2 =	smul.u32 $0x4800, s2;
	[dreg:$0x1e] =	wrdreg s26  }
0x19: {  	s26 =	simm.s32 $0x8180;
	s4 =	sadd.s32 s4, s6;
	s22 =	sshrl.u32 s7, $0x3  }
0x1a: {  	s2 =	sadd.s32 s5, s2;
	s6 =	simm.s32 $0xD980;
	[dreg:$0x4] =	wrdreg s4  }
0x1b: {  	s7 =	simm.s32 $0xE180;
	s23 =	sadd.s32 s5, s22;
	[dreg:$0x5] =	wrdreg s2  }
0x1c: {  	s4 =	simm.s32 $0xD180;
	s5 =	sshrl.u32 s0, $0x1;
	[dreg:$0xa] =	wrdreg s6  }
0x1d: {  	[dreg:$0xb] =	wrdreg s7;
	s22 =	simm.s32 $0x15980;
	s2 =	simm.s32 $0x1  }
0x1e: {  	s6 =	simm.s32 $0x180;
	s7 =	simm.s32 $0xB980;
	[dreg:$0x9] =	wrdreg s4  }
0x1f: {  	s24 =	sadd.s32 $0x1800, s23;
	s25 =	sadd.s32 $0x3000, s23;
	[dreg:$0x1a] =	wrdreg s22  }
0x20: {  	s0 =	ssub.s32 s0, s5;
	s4 =	sadd.s32 $0x100, s1;
	[dreg:$0x6] =	wrdreg s24  }
0x21: {  	s23 =	simm.s32 $0x16180;
	s22 =	simm.s32 $0x6180;
	[dreg:$0x7] =	wrdreg s25  }
0x22: {  	v2 =	vlaneseq.u32;
	s5 =	smax.u32 s0, $0x1;
	[dreg:$0x1b] =	wrdreg s23;
	s24 =	simm.s32 $0x16980  }
0x23: {  	vm0 =	vmmov $0xffff;
	v1 =	vshrl.u32 v2, $0x3;
	s25 =	simm.s32 $0x17180;
	s23 =	simm.s32 $0x6980;
	[dreg:$0x1c] =	wrdreg s24  }
0x24: {  	v0 =	vand.u32 $0x7, v2;
	v2 =	vor.u32 $0x8, v2;
	v1 =	vmul.u32 $0x8, v1;
	[dreg:$0x1d] =	wrdreg s25;
	s24 =	simm.s32 $0x7180;
	s25 =	simm.s32 $0x7980  }
.LBB2_1:
0x25: {  	s9 =	rddreg [dreg:$0x4];
	s0 =	simm.s32 $0x3  }
0x26: {  	[tilespmem:s3], [sflag:$0x3] =	stream.linear.gather [hbm4b:s9+s3], $0x120, $0x38;
	[tilespmem:$0x18180] =	vst v63  }
0x27: {  	_ =	swait.ge [sflag:s0], $0x120  }
0x28: {  	[sflag:s0] =	ssyncset.done $0x0  }
0x29: {  	[sflag:s0] =	ssyncadd.s32 $0xFFFFFEE0  }
0x2a: {  	v3 =	vld [tilespmem:$0x0];
	_ =	sdelay $0x4  }
0x2b: {  	v4 =	vshll.u32 v3, $0x2  }
0x2c: {  	v3 =	vand.u32 $0x7, v3;
	v4 =	vand.u32 $0xFFFFFFE0, v4  }
0x2d: {  	v3 =	vor.u32 v3, v4  }
0x2e: {  	v4 =	vperm.xlane v3, v0;
	_ =	sdelay $0x1  }
0x2f: {  	v4 =	vadd.s32 v1, v4;
	_ =	sdelay $0x1  }
0x30: {  	v3 =	vperm.xlane v3, v2;
	_ =	sdelay $0x1  }
0x31: {  	v3 =	vadd.s32 v1, v3  }
0x32: {  	[tilespmem:s6], [sflag:$0x1] =	stream.indirect_vreg.gather [hbm4b:s1+s3], $0x80, v4, vm0, $0xb8;
	[tilespmem:$0x18180] =	vst v63  }
0x33: {  	_ = 	snop  }
0x34: {  	[tilespmem:s11], [sflag:$0x1] =	stream.indirect_vreg.gather [hbm4b:s4+s3], $0x80, v4, vm0, $0xb8;
	[tilespmem:$0x18180] =	vst v63  }
0x35: {  	_ = 	snop  }
0x36: {  	[tilespmem:s12], [sflag:$0x1] =	stream.indirect_vreg.gather [hbm4b:s1+s3], $0x80, v3, vm0, $0xb8;
	[tilespmem:$0x18180] =	vst v63  }
0x37: {  	_ = 	snop  }
0x38: {  	[tilespmem:s13], [sflag:$0x1] =	stream.indirect_vreg.gather [hbm4b:s4+s3], $0x80, v3, vm0, $0xb8;
	[tilespmem:$0x18180] =	vst v63  }
0x39: {  	v3 =	vld [tilespmem:$0x10];
	_ =	sdelay $0x4  }
0x3a: {  	v47 =	vshll.u32 v3, $0x2  }
0x3b: {  	v3 =	vand.u32 $0x7, v3;
	v4 =	vand.u32 $0xFFFFFFE0, v47  }
0x3c: {  	v3 =	vor.u32 v3, v4  }
0x3d: {  	v4 =	vperm.xlane v3, v0;
	_ =	sdelay $0x1  }
0x3e: {  	v4 =	vadd.s32 v1, v4;
	_ =	sdelay $0x1  }
0x3f: {  	v3 =	vperm.xlane v3, v2;
	_ =	sdelay $0x1  }
0x40: {  	v3 =	vadd.s32 v1, v3  }
0x41: {  	[tilespmem:s14], [sflag:$0x1] =	stream.indirect_vreg.gather [hbm4b:s1+s3], $0x80, v4, vm0, $0xb8;
	[tilespmem:$0x18180] =	vst v63  }
0x42: {  	_ = 	snop  }
0x43: {  	[tilespmem:s15], [sflag:$0x1] =	stream.indirect_vreg.gather [hbm4b:s4+s3], $0x80, v4, vm0, $0xb8;
	[tilespmem:$0x18180] =	vst v63  }
0x44: {  	_ = 	snop  }
0x45: {  	[tilespmem:s16], [sflag:$0x1] =	stream.indirect_vreg.gather [hbm4b:s1+s3], $0x80, v3, vm0, $0xb8;
	[tilespmem:$0x18180] =	vst v63  }
0x46: {  	_ = 	snop  }
0x47: {  	[tilespmem:s17], [sflag:$0x1] =	stream.indirect_vreg.gather [hbm4b:s4+s3], $0x80, v3, vm0, $0xb8;
	[tilespmem:$0x18180] =	vst v63  }
0x48: {  	v3 =	vld [tilespmem:$0x20];
	_ =	sdelay $0x4  }
0x49: {  	v48 =	vshll.u32 v3, $0x2  }
0x4a: {  	v3 =	vand.u32 $0x7, v3;
	v4 =	vand.u32 $0xFFFFFFE0, v48  }
0x4b: {  	v3 =	vor.u32 v3, v4  }
0x4c: {  	v4 =	vperm.xlane v3, v0;
	_ =	sdelay $0x1  }
0x4d: {  	v4 =	vadd.s32 v1, v4;
	_ =	sdelay $0x1  }
0x4e: {  	v3 =	vperm.xlane v3, v2;
	_ =	sdelay $0x1  }
0x4f: {  	v3 =	vadd.s32 v1, v3  }
0x50: {  	[tilespmem:s18], [sflag:$0x1] =	stream.indirect_vreg.gather [hbm4b:s1+s3], $0x80, v4, vm0, $0xb8;
	[tilespmem:$0x18180] =	vst v63  }
0x51: {  	_ = 	snop  }
0x52: {  	[tilespmem:s19], [sflag:$0x1] =	stream.indirect_vreg.gather [hbm4b:s4+s3], $0x80, v4, vm0, $0xb8;
	[tilespmem:$0x18180] =	vst v63  }
0x53: {  	_ = 	snop  }
0x54: {  	[tilespmem:s20], [sflag:$0x1] =	stream.indirect_vreg.gather [hbm4b:s1+s3], $0x80, v3, vm0, $0xb8;
	[tilespmem:$0x18180] =	vst v63  }
0x55: {  	_ = 	snop  }
0x56: {  	[tilespmem:s21], [sflag:$0x1] =	stream.indirect_vreg.gather [hbm4b:s4+s3], $0x80, v3, vm0, $0xb8;
	[tilespmem:$0x18180] =	vst v63  }
0x57: {  	v3 =	vld [tilespmem:$0x30];
	_ =	sdelay $0x4  }
0x58: {  	v49 =	vshll.u32 v3, $0x2  }
0x59: {  	v3 =	vand.u32 $0x7, v3;
	v4 =	vand.u32 $0xFFFFFFE0, v49  }
0x5a: {  	v3 =	vor.u32 v3, v4  }
0x5b: {  	v4 =	vperm.xlane v3, v0;
	_ =	sdelay $0x1  }
0x5c: {  	v4 =	vadd.s32 v1, v4;
	_ =	sdelay $0x1  }
0x5d: {  	v3 =	vperm.xlane v3, v2;
	_ =	sdelay $0x1  }
0x5e: {  	v3 =	vadd.s32 v1, v3  }
0x5f: {  	[tilespmem:s22], [sflag:$0x1] =	stream.indirect_vreg.gather [hbm4b:s1+s3], $0x80, v4, vm0, $0xb8;
	[tilespmem:$0x18180] =	vst v63  }
0x60: {  	_ = 	snop  }
0x61: {  	[tilespmem:s23], [sflag:$0x1] =	stream.indirect_vreg.gather [hbm4b:s4+s3], $0x80, v4, vm0, $0xb8;
	[tilespmem:$0x18180] =	vst v63  }
0x62: {  	_ = 	snop  }
0x63: {  	[tilespmem:s24], [sflag:$0x1] =	stream.indirect_vreg.gather [hbm4b:s1+s3], $0x80, v3, vm0, $0xb8;
	[tilespmem:$0x18180] =	vst v63  }
0x64: {  	_ = 	snop  }
0x65: {  	[tilespmem:s25], [sflag:$0x1] =	stream.indirect_vreg.gather [hbm4b:s4+s3], $0x80, v3, vm0, $0xb8;
	[tilespmem:$0x18180] =	vst v63  }
0x66: {  	v3 =	vld [tilespmem:$0x40];
	_ =	sdelay $0x4  }
0x67: {  	v50 =	vshll.u32 v3, $0x2  }
0x68: {  	v3 =	vand.u32 $0x7, v3;
	v4 =	vand.u32 $0xFFFFFFE0, v50  }
0x69: {  	v3 =	vor.u32 v3, v4  }
0x6a: {  	v4 =	vperm.xlane v3, v0;
	_ =	sdelay $0x1  }
0x6b: {  	v4 =	vadd.s32 v1, v4;
	_ =	sdelay $0x1  }
0x6c: {  	v3 =	vperm.xlane v3, v2;
	_ =	sdelay $0x1  }
0x6d: {  	v3 =	vadd.s32 v1, v3  }
0x6e: {  	[tilespmem:s26], [sflag:$0x1] =	stream.indirect_vreg.gather [hbm4b:s1+s3], $0x80, v4, vm0, $0xb8;
	[tilespmem:$0x18180] =	vst v63  }
0x6f: {  	_ = 	snop  }
0x70: {  	[tilespmem:s28], [sflag:$0x1] =	stream.indirect_vreg.gather [hbm4b:s4+s3], $0x80, v4, vm0, $0xb8;
	[tilespmem:$0x18180] =	vst v63  }
0x71: {  	_ = 	snop  }
0x72: {  	[tilespmem:s29], [sflag:$0x1] =	stream.indirect_vreg.gather [hbm4b:s1+s3], $0x80, v3, vm0, $0xb8;
	[tilespmem:$0x18180] =	vst v63  }
0x73: {  	_ = 	snop  }
0x74: {  	[tilespmem:s30], [sflag:$0x1] =	stream.indirect_vreg.gather [hbm4b:s4+s3], $0x80, v3, vm0, $0xb8;
	[tilespmem:$0x18180] =	vst v63  }
0x75: {  	v3 =	vld [tilespmem:$0x50];
	_ =	sdelay $0x4  }
0x76: {  	v51 =	vshll.u32 v3, $0x2  }
0x77: {  	v3 =	vand.u32 $0x7, v3;
	v4 =	vand.u32 $0xFFFFFFE0, v51  }
0x78: {  	v3 =	vor.u32 v3, v4  }
0x79: {  	v4 =	vperm.xlane v3, v0;
	_ =	sdelay $0x1  }
0x7a: {  	v4 =	vadd.s32 v1, v4;
	_ =	sdelay $0x1  }
0x7b: {  	v3 =	vperm.xlane v3, v2;
	_ =	sdelay $0x1  }
0x7c: {  	v3 =	vadd.s32 v1, v3  }
0x7d: {  	[tilespmem:s31], [sflag:$0x1] =	stream.indirect_vreg.gather [hbm4b:s1+s3], $0x80, v4, vm0, $0xb8;
	[tilespmem:$0x18180] =	vst v63  }
0x7e: {  	s9 =	simm.s32 $0xA980  }
0x7f: {  	[tilespmem:s9], [sflag:$0x1] =	stream.indirect_vreg.gather [hbm4b:s4+s3], $0x80, v4, vm0, $0xb8;
	[tilespmem:$0x18180] =	vst v63  }
0x80: {  	s10 =	simm.s32 $0xB180  }
0x81: {  	[tilespmem:s10], [sflag:$0x1] =	stream.indirect_vreg.gather [hbm4b:s1+s3], $0x80, v3, vm0, $0xb8;
	[tilespmem:$0x18180] =	vst v63  }
0x82: {  	_ = 	snop  }
0x83: {  	[tilespmem:s7], [sflag:$0x1] =	stream.indirect_vreg.gather [hbm4b:s4+s3], $0x80, v3, vm0, $0xb8;
	[tilespmem:$0x18180] =	vst v63  }
0x84: {  	_ =	swait.ge [sflag:s2], $0xC000  }
0x85: {  	[sflag:s2] =	ssyncset.done $0x0  }
0x86: {  	s0 =	rddreg [dreg:$0x5];
	[sflag:s2] =	ssyncadd.s32 $0xFFFF4000  }
0x87: {  	[hbm4b:s0+s3] =	stream.linear.scatter [tilespmem:s6], [sflag:$0x2], $0xC000, $0x38;
	[tilespmem:$0x18180] =	vst v63  }
0x88: {  	v3 =	vld [tilespmem:$0x60];
	_ =	sdelay $0x4  }
0x89: {  	v52 =	vshll.u32 v3, $0x2  }
0x8a: {  	v3 =	vand.u32 $0x7, v3;
	v4 =	vand.u32 $0xFFFFFFE0, v52  }
0x8b: {  	v3 =	vor.u32 v3, v4  }
0x8c: {  	v4 =	vperm.xlane v3, v0;
	_ =	sdelay $0x1  }
0x8d: {  	v4 =	vadd.s32 v1, v4;
	_ =	sdelay $0x1  }
0x8e: {  	v3 =	vperm.xlane v3, v2;
	_ =	sdelay $0x1  }
0x8f: {  	s0 =	simm.s32 $0xC180;
	v3 =	vadd.s32 v1, v3  }
0x90: {  	[tilespmem:s0], [sflag:$0x1] =	stream.indirect_vreg.gather [hbm4b:s1+s3], $0x80, v4, vm0, $0xb8;
	[tilespmem:$0x18180] =	vst v63  }
0x91: {  	s9 =	rddreg [dreg:$0x8]  }
0x92: {  	[tilespmem:s9], [sflag:$0x1] =	stream.indirect_vreg.gather [hbm4b:s4+s3], $0x80, v4, vm0, $0xb8;
	[tilespmem:$0x18180] =	vst v63  }
0x93: {  	s10 =	rddreg [dreg:$0x9]  }
0x94: {  	[tilespmem:s10], [sflag:$0x1] =	stream.indirect_vreg.gather [hbm4b:s1+s3], $0x80, v3, vm0, $0xb8;
	[tilespmem:$0x18180] =	vst v63  }
0x95: {  	s9 =	rddreg [dreg:$0xa]  }
0x96: {  	[tilespmem:s9], [sflag:$0x1] =	stream.indirect_vreg.gather [hbm4b:s4+s3], $0x80, v3, vm0, $0xb8;
	[tilespmem:$0x18180] =	vst v63  }
0x97: {  	v3 =	vld [tilespmem:$0x70];
	_ =	sdelay $0x4  }
0x98: {  	v53 =	vshll.u32 v3, $0x2  }
0x99: {  	v3 =	vand.u32 $0x7, v3;
	v4 =	vand.u32 $0xFFFFFFE0, v53  }
0x9a: {  	v3 =	vor.u32 v3, v4  }
0x9b: {  	v4 =	vperm.xlane v3, v0;
	_ =	sdelay $0x1  }
0x9c: {  	v4 =	vadd.s32 v1, v4;
	_ =	sdelay $0x1  }
0x9d: {  	v3 =	vperm.xlane v3, v2;
	_ =	sdelay $0x1  }
0x9e: {  	s9 =	rddreg [dreg:$0xb];
	v3 =	vadd.s32 v1, v3  }
0x9f: {  	[tilespmem:s9], [sflag:$0x1] =	stream.indirect_vreg.gather [hbm4b:s1+s3], $0x80, v4, vm0, $0xb8;
	[tilespmem:$0x18180] =	vst v63  }
0xa0: {  	s10 =	rddreg [dreg:$0xc]  }
0xa1: {  	[tilespmem:s10], [sflag:$0x1] =	stream.indirect_vreg.gather [hbm4b:s4+s3], $0x80, v4, vm0, $0xb8;
	[tilespmem:$0x18180] =	vst v63  }
0xa2: {  	s9 =	rddreg [dreg:$0xd]  }
0xa3: {  	[tilespmem:s9], [sflag:$0x1] =	stream.indirect_vreg.gather [hbm4b:s1+s3], $0x80, v3, vm0, $0xb8;
	[tilespmem:$0x18180] =	vst v63  }
0xa4: {  	s10 =	rddreg [dreg:$0xe]  }
0xa5: {  	[tilespmem:s10], [sflag:$0x1] =	stream.indirect_vreg.gather [hbm4b:s4+s3], $0x80, v3, vm0, $0xb8;
	[tilespmem:$0x18180] =	vst v63  }
0xa6: {  	v3 =	vld [tilespmem:$0x80];
	_ =	sdelay $0x4  }
0xa7: {  	v54 =	vshll.u32 v3, $0x2  }
0xa8: {  	v3 =	vand.u32 $0x7, v3;
	v4 =	vand.u32 $0xFFFFFFE0, v54  }
0xa9: {  	v3 =	vor.u32 v3, v4  }
0xaa: {  	v4 =	vperm.xlane v3, v0;
	_ =	sdelay $0x1  }
0xab: {  	v4 =	vadd.s32 v1, v4;
	_ =	sdelay $0x1  }
0xac: {  	v3 =	vperm.xlane v3, v2;
	_ =	sdelay $0x1  }
0xad: {  	s9 =	rddreg [dreg:$0xf];
	v3 =	vadd.s32 v1, v3  }
0xae: {  	[tilespmem:s9], [sflag:$0x1] =	stream.indirect_vreg.gather [hbm4b:s1+s3], $0x80, v4, vm0, $0xb8;
	[tilespmem:$0x18180] =	vst v63  }
0xaf: {  	s10 =	rddreg [dreg:$0x10]  }
0xb0: {  	[tilespmem:s10], [sflag:$0x1] =	stream.indirect_vreg.gather [hbm4b:s4+s3], $0x80, v4, vm0, $0xb8;
	[tilespmem:$0x18180] =	vst v63  }
0xb1: {  	s9 =	rddreg [dreg:$0x11]  }
0xb2: {  	[tilespmem:s9], [sflag:$0x1] =	stream.indirect_vreg.gather [hbm4b:s1+s3], $0x80, v3, vm0, $0xb8;
	[tilespmem:$0x18180] =	vst v63  }
0xb3: {  	s10 =	rddreg [dreg:$0x12]  }
0xb4: {  	[tilespmem:s10], [sflag:$0x1] =	stream.indirect_vreg.gather [hbm4b:s4+s3], $0x80, v3, vm0, $0xb8;
	[tilespmem:$0x18180] =	vst v63  }
0xb5: {  	v3 =	vld [tilespmem:$0x90];
	_ =	sdelay $0x4  }
0xb6: {  	v55 =	vshll.u32 v3, $0x2  }
0xb7: {  	v3 =	vand.u32 $0x7, v3;
	v4 =	vand.u32 $0xFFFFFFE0, v55  }
0xb8: {  	v3 =	vor.u32 v3, v4  }
0xb9: {  	v4 =	vperm.xlane v3, v0;
	_ =	sdelay $0x1  }
0xba: {  	v4 =	vadd.s32 v1, v4;
	_ =	sdelay $0x1  }
0xbb: {  	v3 =	vperm.xlane v3, v2;
	_ =	sdelay $0x1  }
0xbc: {  	s9 =	rddreg [dreg:$0x13];
	v3 =	vadd.s32 v1, v3  }
0xbd: {  	[tilespmem:s9], [sflag:$0x1] =	stream.indirect_vreg.gather [hbm4b:s1+s3], $0x80, v4, vm0, $0xb8;
	[tilespmem:$0x18180] =	vst v63  }
0xbe: {  	s10 =	rddreg [dreg:$0x14]  }
0xbf: {  	[tilespmem:s10], [sflag:$0x1] =	stream.indirect_vreg.gather [hbm4b:s4+s3], $0x80, v4, vm0, $0xb8;
	[tilespmem:$0x18180] =	vst v63  }
0xc0: {  	s9 =	rddreg [dreg:$0x15]  }
0xc1: {  	[tilespmem:s9], [sflag:$0x1] =	stream.indirect_vreg.gather [hbm4b:s1+s3], $0x80, v3, vm0, $0xb8;
	[tilespmem:$0x18180] =	vst v63  }
0xc2: {  	s10 =	rddreg [dreg:$0x16]  }
0xc3: {  	[tilespmem:s10], [sflag:$0x1] =	stream.indirect_vreg.gather [hbm4b:s4+s3], $0x80, v3, vm0, $0xb8;
	[tilespmem:$0x18180] =	vst v63  }
0xc4: {  	v3 =	vld [tilespmem:$0xA0];
	_ =	sdelay $0x4  }
0xc5: {  	v56 =	vshll.u32 v3, $0x2  }
0xc6: {  	v3 =	vand.u32 $0x7, v3;
	v4 =	vand.u32 $0xFFFFFFE0, v56  }
0xc7: {  	v3 =	vor.u32 v3, v4  }
0xc8: {  	v4 =	vperm.xlane v3, v0;
	_ =	sdelay $0x1  }
0xc9: {  	v4 =	vadd.s32 v1, v4;
	_ =	sdelay $0x1  }
0xca: {  	v3 =	vperm.xlane v3, v2;
	_ =	sdelay $0x1  }
0xcb: {  	s9 =	rddreg [dreg:$0x17];
	v3 =	vadd.s32 v1, v3  }
0xcc: {  	[tilespmem:s9], [sflag:$0x1] =	stream.indirect_vreg.gather [hbm4b:s1+s3], $0x80, v4, vm0, $0xb8;
	[tilespmem:$0x18180] =	vst v63  }
0xcd: {  	s10 =	rddreg [dreg:$0x18]  }
0xce: {  	[tilespmem:s10], [sflag:$0x1] =	stream.indirect_vreg.gather [hbm4b:s4+s3], $0x80, v4, vm0, $0xb8;
	[tilespmem:$0x18180] =	vst v63  }
0xcf: {  	s9 =	rddreg [dreg:$0x19]  }
0xd0: {  	[tilespmem:s9], [sflag:$0x1] =	stream.indirect_vreg.gather [hbm4b:s1+s3], $0x80, v3, vm0, $0xb8;
	[tilespmem:$0x18180] =	vst v63  }
0xd1: {  	s10 =	rddreg [dreg:$0x1a]  }
0xd2: {  	[tilespmem:s10], [sflag:$0x1] =	stream.indirect_vreg.gather [hbm4b:s4+s3], $0x80, v3, vm0, $0xb8;
	[tilespmem:$0x18180] =	vst v63  }
0xd3: {  	v3 =	vld [tilespmem:$0xB0];
	_ =	sdelay $0x4  }
0xd4: {  	v57 =	vshll.u32 v3, $0x2  }
0xd5: {  	v3 =	vand.u32 $0x7, v3;
	v4 =	vand.u32 $0xFFFFFFE0, v57  }
0xd6: {  	v3 =	vor.u32 v3, v4  }
0xd7: {  	v4 =	vperm.xlane v3, v0;
	_ =	sdelay $0x1  }
0xd8: {  	v4 =	vadd.s32 v1, v4;
	_ =	sdelay $0x1  }
0xd9: {  	v3 =	vperm.xlane v3, v2;
	_ =	sdelay $0x1  }
0xda: {  	s9 =	rddreg [dreg:$0x1b];
	v3 =	vadd.s32 v1, v3  }
0xdb: {  	[tilespmem:s9], [sflag:$0x1] =	stream.indirect_vreg.gather [hbm4b:s1+s3], $0x80, v4, vm0, $0xb8;
	[tilespmem:$0x18180] =	vst v63  }
0xdc: {  	s10 =	rddreg [dreg:$0x1c]  }
0xdd: {  	[tilespmem:s10], [sflag:$0x1] =	stream.indirect_vreg.gather [hbm4b:s4+s3], $0x80, v4, vm0, $0xb8;
	[tilespmem:$0x18180] =	vst v63  }
0xde: {  	s9 =	rddreg [dreg:$0x1d]  }
0xdf: {  	[tilespmem:s9], [sflag:$0x1] =	stream.indirect_vreg.gather [hbm4b:s1+s3], $0x80, v3, vm0, $0xb8;
	[tilespmem:$0x18180] =	vst v63  }
0xe0: {  	s10 =	rddreg [dreg:$0x1e]  }
0xe1: {  	[tilespmem:s10], [sflag:$0x1] =	stream.indirect_vreg.gather [hbm4b:s4+s3], $0x80, v3, vm0, $0xb8;
	[tilespmem:$0x18180] =	vst v63  }
0xe2: {  	_ =	swait.ge [sflag:s2], $0xC000  }
0xe3: {  	[sflag:s2] =	ssyncset.done $0x0  }
0xe4: {  	s10 =	rddreg [dreg:$0x6];
	[sflag:s2] =	ssyncadd.s32 $0xFFFF4000  }
0xe5: {  	[hbm4b:s10+s3] =	stream.linear.scatter [tilespmem:s0], [sflag:$0x2], $0xC000, $0x38;
	[tilespmem:$0x18180] =	vst v63  }
0xe6: {  	_ =	swait.ge [sflag:s8], $0xC000  }
0xe7: {  	[sflag:s8] =	ssyncset.done $0x0  }
0xe8: {  	[sflag:s8] =	ssyncadd.s32 $0xFFFF4000  }
0xe9: {  	v3 =	vld [tilespmem:$0xC0];
	_ =	sdelay $0x4  }
0xea: {  	v58 =	vshll.u32 v3, $0x2  }
0xeb: {  	v3 =	vand.u32 $0x7, v3;
	v4 =	vand.u32 $0xFFFFFFE0, v58  }
0xec: {  	v3 =	vor.u32 v3, v4  }
0xed: {  	v4 =	vperm.xlane v3, v0;
	_ =	sdelay $0x1  }
0xee: {  	v4 =	vadd.s32 v1, v4;
	_ =	sdelay $0x1  }
0xef: {  	v3 =	vperm.xlane v3, v2;
	_ =	sdelay $0x1  }
0xf0: {  	v3 =	vadd.s32 v1, v3  }
0xf1: {  	[tilespmem:s6], [sflag:$0x1] =	stream.indirect_vreg.gather [hbm4b:s1+s3], $0x80, v4, vm0, $0xb8;
	[tilespmem:$0x18180] =	vst v63  }
0xf2: {  	_ = 	snop  }
0xf3: {  	[tilespmem:s11], [sflag:$0x1] =	stream.indirect_vreg.gather [hbm4b:s4+s3], $0x80, v4, vm0, $0xb8;
	[tilespmem:$0x18180] =	vst v63  }
0xf4: {  	_ = 	snop  }
0xf5: {  	[tilespmem:s12], [sflag:$0x1] =	stream.indirect_vreg.gather [hbm4b:s1+s3], $0x80, v3, vm0, $0xb8;
	[tilespmem:$0x18180] =	vst v63  }
0xf6: {  	_ = 	snop  }
0xf7: {  	[tilespmem:s13], [sflag:$0x1] =	stream.indirect_vreg.gather [hbm4b:s4+s3], $0x80, v3, vm0, $0xb8;
	[tilespmem:$0x18180] =	vst v63  }
0xf8: {  	v3 =	vld [tilespmem:$0xD0];
	_ =	sdelay $0x4  }
0xf9: {  	v59 =	vshll.u32 v3, $0x2  }
0xfa: {  	v3 =	vand.u32 $0x7, v3;
	v4 =	vand.u32 $0xFFFFFFE0, v59  }
0xfb: {  	v3 =	vor.u32 v3, v4  }
0xfc: {  	v4 =	vperm.xlane v3, v0;
	_ =	sdelay $0x1  }
0xfd: {  	v4 =	vadd.s32 v1, v4;
	_ =	sdelay $0x1  }
0xfe: {  	v3 =	vperm.xlane v3, v2;
	_ =	sdelay $0x1  }
0xff: {  	v3 =	vadd.s32 v1, v3  }
0x100: {  	[tilespmem:s14], [sflag:$0x1] =	stream.indirect_vreg.gather [hbm4b:s1+s3], $0x80, v4, vm0, $0xb8;
	[tilespmem:$0x18180] =	vst v63  }
0x101: {  	_ = 	snop  }
0x102: {  	[tilespmem:s15], [sflag:$0x1] =	stream.indirect_vreg.gather [hbm4b:s4+s3], $0x80, v4, vm0, $0xb8;
	[tilespmem:$0x18180] =	vst v63  }
0x103: {  	_ = 	snop  }
0x104: {  	[tilespmem:s16], [sflag:$0x1] =	stream.indirect_vreg.gather [hbm4b:s1+s3], $0x80, v3, vm0, $0xb8;
	[tilespmem:$0x18180] =	vst v63  }
0x105: {  	_ = 	snop  }
0x106: {  	[tilespmem:s17], [sflag:$0x1] =	stream.indirect_vreg.gather [hbm4b:s4+s3], $0x80, v3, vm0, $0xb8;
	[tilespmem:$0x18180] =	vst v63  }
0x107: {  	v3 =	vld [tilespmem:$0xE0];
	_ =	sdelay $0x4  }
0x108: {  	v60 =	vshll.u32 v3, $0x2  }
0x109: {  	v3 =	vand.u32 $0x7, v3;
	v4 =	vand.u32 $0xFFFFFFE0, v60  }
0x10a: {  	v3 =	vor.u32 v3, v4  }
0x10b: {  	v4 =	vperm.xlane v3, v0;
	_ =	sdelay $0x1  }
0x10c: {  	v4 =	vadd.s32 v1, v4;
	_ =	sdelay $0x1  }
0x10d: {  	v3 =	vperm.xlane v3, v2;
	_ =	sdelay $0x1  }
0x10e: {  	v3 =	vadd.s32 v1, v3  }
0x10f: {  	[tilespmem:s18], [sflag:$0x1] =	stream.indirect_vreg.gather [hbm4b:s1+s3], $0x80, v4, vm0, $0xb8;
	[tilespmem:$0x18180] =	vst v63  }
0x110: {  	_ = 	snop  }
0x111: {  	[tilespmem:s19], [sflag:$0x1] =	stream.indirect_vreg.gather [hbm4b:s4+s3], $0x80, v4, vm0, $0xb8;
	[tilespmem:$0x18180] =	vst v63  }
0x112: {  	_ = 	snop  }
0x113: {  	[tilespmem:s20], [sflag:$0x1] =	stream.indirect_vreg.gather [hbm4b:s1+s3], $0x80, v3, vm0, $0xb8;
	[tilespmem:$0x18180] =	vst v63  }
0x114: {  	_ = 	snop  }
0x115: {  	[tilespmem:s21], [sflag:$0x1] =	stream.indirect_vreg.gather [hbm4b:s4+s3], $0x80, v3, vm0, $0xb8;
	[tilespmem:$0x18180] =	vst v63  }
0x116: {  	v3 =	vld [tilespmem:$0xF0];
	_ =	sdelay $0x4  }
0x117: {  	v61 =	vshll.u32 v3, $0x2  }
0x118: {  	v3 =	vand.u32 $0x7, v3;
	v4 =	vand.u32 $0xFFFFFFE0, v61  }
0x119: {  	v3 =	vor.u32 v3, v4  }
0x11a: {  	v4 =	vperm.xlane v3, v0;
	_ =	sdelay $0x1  }
0x11b: {  	v4 =	vadd.s32 v1, v4;
	_ =	sdelay $0x1  }
0x11c: {  	v3 =	vperm.xlane v3, v2;
	_ =	sdelay $0x1  }
0x11d: {  	v3 =	vadd.s32 v1, v3  }
0x11e: {  	[tilespmem:s22], [sflag:$0x1] =	stream.indirect_vreg.gather [hbm4b:s1+s3], $0x80, v4, vm0, $0xb8;
	[tilespmem:$0x18180] =	vst v63  }
0x11f: {  	_ = 	snop  }
0x120: {  	[tilespmem:s23], [sflag:$0x1] =	stream.indirect_vreg.gather [hbm4b:s4+s3], $0x80, v4, vm0, $0xb8;
	[tilespmem:$0x18180] =	vst v63  }
0x121: {  	_ = 	snop  }
0x122: {  	[tilespmem:s24], [sflag:$0x1] =	stream.indirect_vreg.gather [hbm4b:s1+s3], $0x80, v3, vm0, $0xb8;
	[tilespmem:$0x18180] =	vst v63  }
0x123: {  	_ = 	snop  }
0x124: {  	[tilespmem:s25], [sflag:$0x1] =	stream.indirect_vreg.gather [hbm4b:s4+s3], $0x80, v3, vm0, $0xb8;
	[tilespmem:$0x18180] =	vst v63  }
0x125: {  	v3 =	vld [tilespmem:$0x100];
	_ =	sdelay $0x4  }
0x126: {  	v62 =	vshll.u32 v3, $0x2  }
0x127: {  	v3 =	vand.u32 $0x7, v3;
	v4 =	vand.u32 $0xFFFFFFE0, v62  }
0x128: {  	v3 =	vor.u32 v3, v4  }
0x129: {  	v4 =	vperm.xlane v3, v0;
	_ =	sdelay $0x1  }
0x12a: {  	v4 =	vadd.s32 v1, v4;
	_ =	sdelay $0x1  }
0x12b: {  	v3 =	vperm.xlane v3, v2;
	_ =	sdelay $0x1  }
0x12c: {  	v3 =	vadd.s32 v1, v3  }
0x12d: {  	[tilespmem:s26], [sflag:$0x1] =	stream.indirect_vreg.gather [hbm4b:s1+s3], $0x80, v4, vm0, $0xb8;
	[tilespmem:$0x18180] =	vst v63  }
0x12e: {  	_ = 	snop  }
0x12f: {  	[tilespmem:s28], [sflag:$0x1] =	stream.indirect_vreg.gather [hbm4b:s4+s3], $0x80, v4, vm0, $0xb8;
	[tilespmem:$0x18180] =	vst v63  }
0x130: {  	_ = 	snop  }
0x131: {  	[tilespmem:s29], [sflag:$0x1] =	stream.indirect_vreg.gather [hbm4b:s1+s3], $0x80, v3, vm0, $0xb8;
	[tilespmem:$0x18180] =	vst v63  }
0x132: {  	_ = 	snop  }
0x133: {  	[tilespmem:s30], [sflag:$0x1] =	stream.indirect_vreg.gather [hbm4b:s4+s3], $0x80, v3, vm0, $0xb8;
	[tilespmem:$0x18180] =	vst v63  }
0x134: {  	v3 =	vld [tilespmem:$0x110];
	_ =	sdelay $0x4  }
0x135: {  	v63 =	vshll.u32 v3, $0x2  }
0x136: {  	v3 =	vand.u32 $0x7, v3;
	v4 =	vand.u32 $0xFFFFFFE0, v63  }
0x137: {  	v3 =	vor.u32 v3, v4  }
0x138: {  	v4 =	vperm.xlane v3, v0;
	_ =	sdelay $0x1  }
0x139: {  	v4 =	vadd.s32 v1, v4;
	_ =	sdelay $0x1  }
0x13a: {  	v3 =	vperm.xlane v3, v2;
	_ =	sdelay $0x1  }
0x13b: {  	v3 =	vadd.s32 v1, v3  }
0x13c: {  	[tilespmem:s31], [sflag:$0x1] =	stream.indirect_vreg.gather [hbm4b:s1+s3], $0x80, v4, vm0, $0xb8;
	[tilespmem:$0x18180] =	vst v63  }
0x13d: {  	s10 =	simm.s32 $0xA980  }
0x13e: {  	[tilespmem:s10], [sflag:$0x1] =	stream.indirect_vreg.gather [hbm4b:s4+s3], $0x80, v4, vm0, $0xb8;
	[tilespmem:$0x18180] =	vst v63  }
0x13f: {  	s9 =	simm.s32 $0xB180  }
0x140: {  	[tilespmem:s9], [sflag:$0x1] =	stream.indirect_vreg.gather [hbm4b:s1+s3], $0x80, v3, vm0, $0xb8;
	[tilespmem:$0x18180] =	vst v63  }
0x141: {  	_ = 	snop  }
0x142: {  	[tilespmem:s7], [sflag:$0x1] =	stream.indirect_vreg.gather [hbm4b:s4+s3], $0x80, v3, vm0, $0xb8;
	[tilespmem:$0x18180] =	vst v63  }
0x143: {  	_ =	swait.ge [sflag:s2], $0xC000  }
0x144: {  	[sflag:s2] =	ssyncset.done $0x0  }
0x145: {  	s10 =	rddreg [dreg:$0x7];
	[sflag:s2] =	ssyncadd.s32 $0xFFFF4000  }
0x146: {  	[hbm4b:s10+s3] =	stream.linear.scatter [tilespmem:s6], [sflag:$0x2], $0xC000, $0x38;
	[tilespmem:$0x18180] =	vst v63  }
0x147: {  	p0 =	sne.s32 s5, $0x1;
	_ =	swait.ge [sflag:s8], $0xC000  }
.Ltmp0:
0x148: {  	[sflag:s8] =	ssyncset.done $0x0;
	(pc) =	sbr.rel @p0 .LBB2_1-.Ltmp0, $4  }
0x149: {  	[sflag:s8] =	ssyncadd.s32 $0xFFFF4000  }
0x14a: {  	_ =	swait.ge [sflag:s8], $0xC000  }
0x14b: {  	[sflag:s8] =	ssyncset.done $0x0  }
0x14c: {  	s5 =	sadd.s32 $0xFFFFFFFF, s5;
	[sflag:s8] =	ssyncadd.s32 $0xFFFF4000  }
0x14d: {  	_ =	sfence.sel $0x180000  }
0x14e: {  	[bflag:$0x0] =	sbarrier.arrive $0xFFFF  }
0x14f: {  	_ =	strace $0x90000047  }
0x150: {  	s0 =	stileid.u32;
	[bflag:$0x2] =	sbarrier.arrive $0xFFFF  }
0x151: {  	p0 =	sne.s32 s0, $0x0;
	s0 =	rddreg [dreg:$0x3]  }
0x152: {  	s0 =	sadd.s32 @!p0 $0x100000, s0  }
0x153: {  	[sflag:s0] =	ssyncadd.tile.s32 @!p0 $0x1;
	_ =	shalt  }
.Lfunc_end2:
_tile_overlayer_lowered:
.L_overlay_start_2:
0x154: {  	(tag) =	ssettag $0x2  }
0x155: {  	s0 =	rddreg [dreg:$0x0];
	s2 =	stileid.u32  }
0x156: {  	s1 =	rddreg [dreg:$0x1];
	p0 =	sne.s32 s2, $0x0  }
0x157: {  	s3 =	rddreg [dreg:$0x2];
	[bflag:$0x3] =	sbarrier.arrive $0xFFFF;
	s2 =	simm.s32 @!p0 $0x1C03  }
0x158: {  	[timem:s3], [sflag:s2] =	dma.local @!p0 [hbm:s0], s1  }
0x159: {  	s0 =	simm.s32 @!p0 $0x3  }
0x15a: {  	_ =	swait.ge @!p0 [sflag:s0], s1  }
0x15b: {  	s1 =	ssub.s32 @!p0 $0x0, s1;
	[sflag:s0] =	ssyncset.done @!p0 $0x0  }
0x15c: {  	[sflag:s0] =	ssyncadd.s32 @!p0 s1  }
0x15d: {  	[bflag:$0x3] =	sbarrier.arrive $0xFFFF  }
0x15e: {  	_ =	shalt  }

</sc_bundles>
